<compile_context>
chip_gen: v7x
topology: tpu7x:2x2x1
jax: 0.10.2.dev20260603
libtpu: 0.0.44.dev20260713+nightly
codegen_flags: <defaults>
</compile_context>

<pallas_src>
import jax
import jax.numpy as jnp
from jax import lax
from jax.experimental import pallas as pl
from jax.experimental.pallas import tpu as pltpu
from jax.experimental.pallas import tpu_sc as plsc

_T = 8
_LAT = 721
_LON = 1440
_LANES = 16
_NSUB = 16
_CHUNK = 48
_NCHUNK = _LON // _CHUNK


def _dyn_gather(x, perm):
    dnums = lax.GatherDimensionNumbers(
        offset_dims=(), collapsed_slice_dims=(0,), start_index_map=(0,))
    return lax.gather(x, perm[:, None], dnums, (1,),
                      mode=lax.GatherScatterMode.PROMISE_IN_BOUNDS)


def _coupler_body(times_hbm, newt_hbm, qt_hbm, buf_sst, buf_ice, new_sst,
                  new_ice, out, tv_v, misc_v, row0, row1, ldsem0, ldsem1,
                  stsem):
    cp_t = pltpu.make_async_copy(times_hbm, tv_v.at[pl.ds(0, _T)], ldsem0)
    cp_n = pltpu.make_async_copy(newt_hbm, misc_v.at[pl.ds(0, 1)], ldsem1)
    cp_q = pltpu.make_async_copy(qt_hbm, misc_v.at[pl.ds(8, 1)], stsem)
    cp_t.start()
    cp_n.start()
    cp_q.start()
    cp_t.wait()
    cp_n.wait()
    cp_q.wait()
    lanes0 = lax.iota(jnp.int32, _LANES)
    t = tv_v[...]
    m = misc_v[...]
    shift = _dyn_gather(t, jnp.minimum(lanes0 + 1, _LANES - 1))
    nt = _dyn_gather(m, jnp.zeros((_LANES,), jnp.int32))
    q = _dyn_gather(m, jnp.full((_LANES,), 8, jnp.int32))
    times16 = jnp.where(lanes0 == (_T - 1), nt, shift)
    diff = jnp.where(lanes0 >= _T, jnp.float32(jnp.inf), jnp.abs(times16 - q))
    lanes = lax.iota(jnp.int32, _LANES)
    vals, args = diff, lanes
    for off in (1, 2, 4, 8):
        perm = lax.bitwise_and(lanes + off, _LANES - 1)
        ov = _dyn_gather(vals, perm)
        oa = _dyn_gather(args, perm)
        take = (ov < vals) | ((ov == vals) & (oa < args))
        vals = jnp.where(take, ov, vals)
        args = jnp.where(take, oa, args)
    idx = args[0]
    is_new = idx == (_T - 1)
    srow = idx + 1

    c = lax.axis_index("c")
    s = lax.axis_index("s")

    def field(buf, new, slot):
        k1 = s + _NSUB
        r0 = pl.multiple_of(s * _CHUNK, 8)
        r1 = pl.multiple_of(k1 * _CHUNK, 8)
        have1 = k1 < _NCHUNK

        def start_load(r, dst, sem):
            @pl.when(is_new)
            def _():
                pltpu.async_copy(new.at[pl.ds(r, _CHUNK)], dst, sem)

            @pl.when(jnp.logical_not(is_new))
            def _():
                pltpu.async_copy(buf.at[srow, pl.ds(r, _CHUNK)], dst, sem)

        start_load(r0, row0, ldsem0)

        @pl.when(have1)
        def _():
            start_load(r1, row1, ldsem1)

        pltpu.make_async_copy(new.at[pl.ds(r0, _CHUNK)], row0, ldsem0).wait()
        pltpu.async_copy(row0, out.at[slot, pl.ds(r0, _CHUNK)], stsem)

        @pl.when(have1)
        def _():
            pltpu.make_async_copy(new.at[pl.ds(r1, _CHUNK)], row1, ldsem1).wait()
            pltpu.async_copy(row1, out.at[slot, pl.ds(r1, _CHUNK)], stsem)
            pltpu.make_async_copy(row1, out.at[slot, pl.ds(r1, _CHUNK)], stsem).wait()

        pltpu.make_async_copy(row0, out.at[slot, pl.ds(r0, _CHUNK)], stsem).wait()

    @pl.when(c == 0)
    def _():
        field(buf_sst, new_sst, 0)

    @pl.when(c == 1)
    def _():
        field(buf_ice, new_ice, 1)


def kernel(buf_sst, buf_ice, times_buf, new_sst, new_ice, new_time, query_time):
    sst_t = jnp.transpose(buf_sst, (0, 2, 1))
    ice_t = jnp.transpose(buf_ice, (0, 2, 1))
    nsst_t = jnp.transpose(new_sst, (1, 0))
    nice_t = jnp.transpose(new_ice, (1, 0))

    mesh = plsc.VectorSubcoreMesh(core_axis_name="c", subcore_axis_name="s")
    fn = pl.kernel(
        _coupler_body,
        mesh=mesh,
        out_type=jax.ShapeDtypeStruct((2, _LON, _LAT), jnp.float32),
        scratch_types=[
            pltpu.VMEM((_LANES,), jnp.float32),
            pltpu.VMEM((_LANES,), jnp.float32),
            pltpu.VMEM((_CHUNK, _LAT), jnp.float32),
            pltpu.VMEM((_CHUNK, _LAT), jnp.float32),
            pltpu.SemaphoreType.DMA,
            pltpu.SemaphoreType.DMA,
            pltpu.SemaphoreType.DMA,
        ],
    )
    out_t = fn(times_buf, new_time, query_time, sst_t, ice_t, nsst_t, nice_t)
    return jnp.transpose(out_t, (0, 2, 1))

# --- scband reference (transcript-rebuilt; emitter-appended) ---
"""Pipeline reference for scband-multi-time-data-coupler-22565758173312 (READ-ONLY COPY).

The authoritative reference and input builder live on the scoring server;
editing this copy changes nothing except your own understanding.
"""

import jax, jax.numpy as jnp
import numpy as np

T = 8
LAT = 721
LON = 1440


def setup_inputs(seed: int = 0) -> dict:
    key = jax.random.key(seed)
    k1, k2, k3, k4 = jax.random.split(key, 4)
    return {
        # rolling-buffer state (coupling_fields), one buffer per coupling field
        "buf_sst": jax.random.normal(k1, (T, LAT, LON), dtype=jnp.float32),
        "buf_ice": jax.random.normal(k2, (T, LAT, LON), dtype=jnp.float32),
        # stored times for each slice (seconds since epoch, simplified to float32)
        "times_buf": jnp.arange(T, dtype=jnp.float32),
        # latest observations (nested_inputs['ocean'][field])
        "new_sst": jax.random.normal(k3, (LAT, LON), dtype=jnp.float32),
        "new_ice": jax.random.normal(k4, (LAT, LON), dtype=jnp.float32),
        # time of the new observation (nested_inputs['obs_time']['time'])
        "new_time": jnp.ones((1,), dtype=jnp.float32) * float(T),
        # query time passed to __call__
        "query_time": jnp.ones((1,), dtype=jnp.float32) * float(T // 2),
    }


def _shift_in(buf, new_slice):
    # update = lambda arr, new_arr: jnp.concat([arr[1:], new_arr[None, ...]])
    # i.e. drop oldest slice, scatter-write the newest at the end of the buffer
    return jnp.concatenate([buf[1:], new_slice[None, ...]], axis=0)


def _slice_data_by_time(query_time, times, buf):
    # dynamic_io.slice_data_by_time: pick the stored slice matching the query time
    idx = jnp.argmin(jnp.abs(times - query_time))
    return jnp.take(buf, idx, axis=0)


def reference(buf_sst, buf_ice, times_buf, new_sst, new_ice, new_time, query_time):
    # --- update_fields: roll each buffer and write the newest observation ---
    times = jnp.concatenate([times_buf[1:], new_time], axis=0)
    buf_sst = _shift_in(buf_sst, new_sst)
    buf_ice = _shift_in(buf_ice, new_ice)
    # --- __call__(time): gather the slice at the requested time ---
    q = query_time[0]
    sst_out = _slice_data_by_time(q, times, buf_sst)
    ice_out = _slice_data_by_time(q, times, buf_ice)
    # stack the per-field outputs (dict in the original, stacked here)
    return jnp.stack([sst_out, ice_out], axis=0)

if __name__ == "__main__":
    import jax
    _d = setup_inputs()
    print(jax.jit(kernel)(*tuple(_d.values())))

</pallas_src>

<mosaic_0001>
#map = affine_map<(d0, d1) -> (0)>
#map1 = affine_map<(d0, d1) -> (0, 0, 0)>
#map2 = affine_map<(d0, d1) -> (0, 0)>
module attributes {stable_mosaic.version = 14 : i64} {
  func.func @_coupler_body(%arg0: i32, %arg1: i32, %arg2: memref<8xf32, #tpu.memory_space<hbm>>, %arg3: memref<1xf32, #tpu.memory_space<hbm>>, %arg4: memref<1xf32, #tpu.memory_space<hbm>>, %arg5: memref<8x1440x721xf32, #tpu.memory_space<hbm>>, %arg6: memref<8x1440x721xf32, #tpu.memory_space<hbm>>, %arg7: memref<1440x721xf32, #tpu.memory_space<hbm>>, %arg8: memref<1440x721xf32, #tpu.memory_space<hbm>>, %arg9: memref<2x1440x721xf32, #tpu.memory_space<hbm>>, %arg10: memref<16xf32, #tpu.memory_space<vmem>>, %arg11: memref<16xf32, #tpu.memory_space<vmem>>, %arg12: memref<48x721xf32, #tpu.memory_space<vmem>>, %arg13: memref<48x721xf32, #tpu.memory_space<vmem>>, %arg14: memref<!tpu.dma_semaphore, #tpu.memory_space<semaphore_mem>>, %arg15: memref<!tpu.dma_semaphore, #tpu.memory_space<semaphore_mem>>, %arg16: memref<!tpu.dma_semaphore, #tpu.memory_space<semaphore_mem>>) attributes {dimension_semantics = [#tpu.dimension_semantics<core_parallel>, #tpu.dimension_semantics<subcore_parallel>], iteration_bounds = array<i64: 2, 16>, scalar_prefetch = 0 : i64, scratch_operands = 7 : i64, tpu.core_type = #tpu.core_type<sc_vector_subcore>, window_params = [{transform_indices = #map}, {transform_indices = #map}, {transform_indices = #map}, {transform_indices = #map1}, {transform_indices = #map1}, {transform_indices = #map2}, {transform_indices = #map2}, {transform_indices = #map1}]} {
    %dma_start3A = arith.constant 0 : i32
    %dma_start3A_0 = tpu.memref_slice %arg10[%dma_start3A] : memref<16xf32, #tpu.memory_space<vmem>> -> memref<8xf32, #tpu.memory_space<vmem>>
    %dma_start3A_1 = arith.constant 0 : i32
    %dma_start3A_2 = tpu.memref_slice %arg10[%dma_start3A_1] : memref<16xf32, #tpu.memory_space<vmem>> -> memref<8xf32, #tpu.memory_space<vmem>>
    tpu.enqueue_dma source(%arg2 : memref<8xf32, #tpu.memory_space<hbm>>) target(%dma_start3A_2 : memref<8xf32, #tpu.memory_space<vmem>>) target_semaphore(%arg14 : memref<!tpu.dma_semaphore, #tpu.memory_space<semaphore_mem>>)
    %dma_start3A_3 = arith.constant 0 : i32
    %dma_start3A_4 = tpu.memref_slice %arg11[%dma_start3A_3] : memref<16xf32, #tpu.memory_space<vmem>> -> memref<1xf32, #tpu.memory_space<vmem>>
    %dma_start3A_5 = arith.constant 0 : i32
    %dma_start3A_6 = tpu.memref_slice %arg11[%dma_start3A_5] : memref<16xf32, #tpu.memory_space<vmem>> -> memref<1xf32, #tpu.memory_space<vmem>>
    tpu.enqueue_dma source(%arg3 : memref<1xf32, #tpu.memory_space<hbm>>) target(%dma_start3A_6 : memref<1xf32, #tpu.memory_space<vmem>>) target_semaphore(%arg15 : memref<!tpu.dma_semaphore, #tpu.memory_space<semaphore_mem>>)
    %dma_start3A_7 = arith.constant 8 : i32
    %dma_start3A_8 = tpu.memref_slice %arg11[%dma_start3A_7] : memref<16xf32, #tpu.memory_space<vmem>> -> memref<1xf32, #tpu.memory_space<vmem>>
    %dma_start3A_9 = arith.constant 8 : i32
    %dma_start3A_10 = tpu.memref_slice %arg11[%dma_start3A_9] : memref<16xf32, #tpu.memory_space<vmem>> -> memref<1xf32, #tpu.memory_space<vmem>>
    tpu.enqueue_dma source(%arg4 : memref<1xf32, #tpu.memory_space<hbm>>) target(%dma_start3A_10 : memref<1xf32, #tpu.memory_space<vmem>>) target_semaphore(%arg16 : memref<!tpu.dma_semaphore, #tpu.memory_space<semaphore_mem>>)
    %dma_wait3A = arith.constant 0 : i32
    %dma_wait3A_11 = tpu.memref_slice %arg10[%dma_wait3A] : memref<16xf32, #tpu.memory_space<vmem>> -> memref<8xf32, #tpu.memory_space<vmem>>
    %dma_wait3A_12 = arith.constant 0 : i32
    %dma_wait3A_13 = tpu.memref_slice %arg10[%dma_wait3A_12] : memref<16xf32, #tpu.memory_space<vmem>> -> memref<8xf32, #tpu.memory_space<vmem>>
    tpu.wait_dma2 semaphore(%arg14 : memref<!tpu.dma_semaphore, #tpu.memory_space<semaphore_mem>>) src(%arg2 : memref<8xf32, #tpu.memory_space<hbm>>) dst(%dma_wait3A_13 : memref<8xf32, #tpu.memory_space<vmem>>)
    %dma_wait3A_14 = arith.constant 0 : i32
    %dma_wait3A_15 = tpu.memref_slice %arg11[%dma_wait3A_14] : memref<16xf32, #tpu.memory_space<vmem>> -> memref<1xf32, #tpu.memory_space<vmem>>
    %dma_wait3A_16 = arith.constant 0 : i32
    %dma_wait3A_17 = tpu.memref_slice %arg11[%dma_wait3A_16] : memref<16xf32, #tpu.memory_space<vmem>> -> memref<1xf32, #tpu.memory_space<vmem>>
    tpu.wait_dma2 semaphore(%arg15 : memref<!tpu.dma_semaphore, #tpu.memory_space<semaphore_mem>>) src(%arg3 : memref<1xf32, #tpu.memory_space<hbm>>) dst(%dma_wait3A_17 : memref<1xf32, #tpu.memory_space<vmem>>)
    %dma_wait3A_18 = arith.constant 8 : i32
    %dma_wait3A_19 = tpu.memref_slice %arg11[%dma_wait3A_18] : memref<16xf32, #tpu.memory_space<vmem>> -> memref<1xf32, #tpu.memory_space<vmem>>
    %dma_wait3A_20 = arith.constant 8 : i32
    %dma_wait3A_21 = tpu.memref_slice %arg11[%dma_wait3A_20] : memref<16xf32, #tpu.memory_space<vmem>> -> memref<1xf32, #tpu.memory_space<vmem>>
    tpu.wait_dma2 semaphore(%arg16 : memref<!tpu.dma_semaphore, #tpu.memory_space<semaphore_mem>>) src(%arg4 : memref<1xf32, #tpu.memory_space<hbm>>) dst(%dma_wait3A_21 : memref<1xf32, #tpu.memory_space<vmem>>)
    %iota3A = tpu.iota {dimensions = array<i32: 0>} : vector<16xi32>
    %get3A = arith.constant 0 : index
    %get3A_22 = tpu.vector_load %arg10[%get3A] {strides = array<i32>} : memref<16xf32, #tpu.memory_space<vmem>>, vector<16xf32>,
    %get3A_23 = vector.shape_cast %get3A_22 : vector<16xf32> to vector<16xf32>
    %get3A_24 = arith.constant 0 : index
    %get3A_25 = tpu.vector_load %arg11[%get3A_24] {strides = array<i32>} : memref<16xf32, #tpu.memory_space<vmem>>, vector<16xf32>,
    %get3A_26 = vector.shape_cast %get3A_25 : vector<16xf32> to vector<16xf32>
    %add3A = arith.constant 1 : i32
    %add3A_27 = vector.broadcast %add3A : i32 to vector<16xi32>
    %add3A_28 = arith.addi %iota3A, %add3A_27 : vector<16xi32>
    %min3A = arith.constant 15 : i32
    %min3A_29 = vector.broadcast %min3A : i32 to vector<16xi32>
    %min3A_30 = arith.minsi %add3A_28, %min3A_29 : vector<16xi32>
    %broadcast_in_dim3A = vector.shape_cast %min3A_30 : vector<16xi32> to vector<16x1xi32>
    %gather3A = vector.shape_cast %broadcast_in_dim3A : vector<16x1xi32> to vector<16xi32>
    %gather3A_31 = tpu.dynamic_gather %get3A_23[%gather3A] in [0] : vector<16xf32>, vector<16xi32> -> vector<16xf32>
    %broadcast_in_dim3A_32 = arith.constant 0 : i32
    %broadcast_in_dim3A_33 = vector.broadcast %broadcast_in_dim3A_32 : i32 to vector<16xi32>
    %broadcast_in_dim3A_34 = vector.shape_cast %broadcast_in_dim3A_33 : vector<16xi32> to vector<16x1xi32>
    %gather3A_35 = vector.shape_cast %broadcast_in_dim3A_34 : vector<16x1xi32> to vector<16xi32>
    %gather3A_36 = tpu.dynamic_gather %get3A_26[%gather3A_35] in [0] : vector<16xf32>, vector<16xi32> -> vector<16xf32>
    %broadcast_in_dim3A_37 = arith.constant 8 : i32
    %broadcast_in_dim3A_38 = vector.broadcast %broadcast_in_dim3A_37 : i32 to vector<16xi32>
    %broadcast_in_dim3A_39 = vector.shape_cast %broadcast_in_dim3A_38 : vector<16xi32> to vector<16x1xi32>
    %gather3A_40 = vector.shape_cast %broadcast_in_dim3A_39 : vector<16x1xi32> to vector<16xi32>
    %gather3A_41 = tpu.dynamic_gather %get3A_26[%gather3A_40] in [0] : vector<16xf32>, vector<16xi32> -> vector<16xf32>
    %eq3A = arith.constant 7 : i32
    %eq3A_42 = vector.broadcast %eq3A : i32 to vector<16xi32>
    %eq3A_43 = arith.cmpi eq, %iota3A, %eq3A_42 : vector<16xi32>
    %select_n3A = arith.select %eq3A_43, %gather3A_36, %gather3A_31 : vector<16xi1>, vector<16xf32>
    %ge3A = arith.constant 8 : i32
    %ge3A_44 = vector.broadcast %ge3A : i32 to vector<16xi32>
    %ge3A_45 = arith.cmpi sge, %iota3A, %ge3A_44 : vector<16xi32>
    %sub3A = arith.subf %select_n3A, %gather3A_41 : vector<16xf32>
    %abs3A = math.absf %sub3A : vector<16xf32>
    %jit3A = arith.constant 0x7F800000 : f32
    %broadcast_in_dim3A_46 = vector.broadcast %jit3A : f32 to vector<16xf32>
    %select_n3A_47 = arith.select %ge3A_45, %broadcast_in_dim3A_46, %abs3A : vector<16xi1>, vector<16xf32>
    %iota3A_48 = tpu.iota {dimensions = array<i32: 0>} : vector<16xi32>
    %add3A_49 = arith.constant 1 : i32
    %add3A_50 = vector.broadcast %add3A_49 : i32 to vector<16xi32>
    %add3A_51 = arith.addi %iota3A_48, %add3A_50 : vector<16xi32>
    %and3A = arith.constant 15 : i32
    %and3A_52 = vector.broadcast %and3A : i32 to vector<16xi32>
    %and3A_53 = arith.andi %add3A_51, %and3A_52 : vector<16xi32>
    %broadcast_in_dim3A_54 = vector.shape_cast %and3A_53 : vector<16xi32> to vector<16x1xi32>
    %gather3A_55 = vector.shape_cast %broadcast_in_dim3A_54 : vector<16x1xi32> to vector<16xi32>
    %gather3A_56 = tpu.dynamic_gather %select_n3A_47[%gather3A_55] in [0] : vector<16xf32>, vector<16xi32> -> vector<16xf32>
    %broadcast_in_dim3A_57 = vector.shape_cast %and3A_53 : vector<16xi32> to vector<16x1xi32>
    %gather3A_58 = vector.shape_cast %broadcast_in_dim3A_57 : vector<16x1xi32> to vector<16xi32>
    %gather3A_59 = tpu.dynamic_gather %iota3A_48[%gather3A_58] in [0] : vector<16xi32>, vector<16xi32> -> vector<16xi32>
    %lt3A = arith.cmpf olt, %gather3A_56, %select_n3A_47 : vector<16xf32>
    %eq3A_60 = arith.cmpf oeq, %gather3A_56, %select_n3A_47 : vector<16xf32>
    %lt3A_61 = arith.cmpi slt, %gather3A_59, %iota3A_48 : vector<16xi32>
    %and3A_62 = arith.andi %eq3A_60, %lt3A_61 : vector<16xi1>
    %or3A = arith.ori %lt3A, %and3A_62 : vector<16xi1>
    %select_n3A_63 = arith.select %or3A, %gather3A_56, %select_n3A_47 : vector<16xi1>, vector<16xf32>
    %select_n3A_64 = arith.select %or3A, %gather3A_59, %iota3A_48 : vector<16xi1>, vector<16xi32>
    %add3A_65 = arith.constant 2 : i32
    %add3A_66 = vector.broadcast %add3A_65 : i32 to vector<16xi32>
    %add3A_67 = arith.addi %iota3A_48, %add3A_66 : vector<16xi32>
    %and3A_68 = arith.constant 15 : i32
    %and3A_69 = vector.broadcast %and3A_68 : i32 to vector<16xi32>
    %and3A_70 = arith.andi %add3A_67, %and3A_69 : vector<16xi32>
    %broadcast_in_dim3A_71 = vector.shape_cast %and3A_70 : vector<16xi32> to vector<16x1xi32>
    %gather3A_72 = vector.shape_cast %broadcast_in_dim3A_71 : vector<16x1xi32> to vector<16xi32>
    %gather3A_73 = tpu.dynamic_gather %select_n3A_63[%gather3A_72] in [0] : vector<16xf32>, vector<16xi32> -> vector<16xf32>
    %broadcast_in_dim3A_74 = vector.shape_cast %and3A_70 : vector<16xi32> to vector<16x1xi32>
    %gather3A_75 = vector.shape_cast %broadcast_in_dim3A_74 : vector<16x1xi32> to vector<16xi32>
    %gather3A_76 = tpu.dynamic_gather %select_n3A_64[%gather3A_75] in [0] : vector<16xi32>, vector<16xi32> -> vector<16xi32>
    %lt3A_77 = arith.cmpf olt, %gather3A_73, %select_n3A_63 : vector<16xf32>
    %eq3A_78 = arith.cmpf oeq, %gather3A_73, %select_n3A_63 : vector<16xf32>
    %lt3A_79 = arith.cmpi slt, %gather3A_76, %select_n3A_64 : vector<16xi32>
    %and3A_80 = arith.andi %eq3A_78, %lt3A_79 : vector<16xi1>
    %or3A_81 = arith.ori %lt3A_77, %and3A_80 : vector<16xi1>
    %select_n3A_82 = arith.select %or3A_81, %gather3A_73, %select_n3A_63 : vector<16xi1>, vector<16xf32>
    %select_n3A_83 = arith.select %or3A_81, %gather3A_76, %select_n3A_64 : vector<16xi1>, vector<16xi32>
    %add3A_84 = arith.constant 4 : i32
    %add3A_85 = vector.broadcast %add3A_84 : i32 to vector<16xi32>
    %add3A_86 = arith.addi %iota3A_48, %add3A_85 : vector<16xi32>
    %and3A_87 = arith.constant 15 : i32
    %and3A_88 = vector.broadcast %and3A_87 : i32 to vector<16xi32>
    %and3A_89 = arith.andi %add3A_86, %and3A_88 : vector<16xi32>
    %broadcast_in_dim3A_90 = vector.shape_cast %and3A_89 : vector<16xi32> to vector<16x1xi32>
    %gather3A_91 = vector.shape_cast %broadcast_in_dim3A_90 : vector<16x1xi32> to vector<16xi32>
    %gather3A_92 = tpu.dynamic_gather %select_n3A_82[%gather3A_91] in [0] : vector<16xf32>, vector<16xi32> -> vector<16xf32>
    %broadcast_in_dim3A_93 = vector.shape_cast %and3A_89 : vector<16xi32> to vector<16x1xi32>
    %gather3A_94 = vector.shape_cast %broadcast_in_dim3A_93 : vector<16x1xi32> to vector<16xi32>
    %gather3A_95 = tpu.dynamic_gather %select_n3A_83[%gather3A_94] in [0] : vector<16xi32>, vector<16xi32> -> vector<16xi32>
    %lt3A_96 = arith.cmpf olt, %gather3A_92, %select_n3A_82 : vector<16xf32>
    %eq3A_97 = arith.cmpf oeq, %gather3A_92, %select_n3A_82 : vector<16xf32>
    %lt3A_98 = arith.cmpi slt, %gather3A_95, %select_n3A_83 : vector<16xi32>
    %and3A_99 = arith.andi %eq3A_97, %lt3A_98 : vector<16xi1>
    %or3A_100 = arith.ori %lt3A_96, %and3A_99 : vector<16xi1>
    %select_n3A_101 = arith.select %or3A_100, %gather3A_92, %select_n3A_82 : vector<16xi1>, vector<16xf32>
    %select_n3A_102 = arith.select %or3A_100, %gather3A_95, %select_n3A_83 : vector<16xi1>, vector<16xi32>
    %add3A_103 = arith.constant 8 : i32
    %add3A_104 = vector.broadcast %add3A_103 : i32 to vector<16xi32>
    %add3A_105 = arith.addi %iota3A_48, %add3A_104 : vector<16xi32>
    %and3A_106 = arith.constant 15 : i32
    %and3A_107 = vector.broadcast %and3A_106 : i32 to vector<16xi32>
    %and3A_108 = arith.andi %add3A_105, %and3A_107 : vector<16xi32>
    %broadcast_in_dim3A_109 = vector.shape_cast %and3A_108 : vector<16xi32> to vector<16x1xi32>
    %gather3A_110 = vector.shape_cast %broadcast_in_dim3A_109 : vector<16x1xi32> to vector<16xi32>
    %gather3A_111 = tpu.dynamic_gather %select_n3A_101[%gather3A_110] in [0] : vector<16xf32>, vector<16xi32> -> vector<16xf32>
    %broadcast_in_dim3A_112 = vector.shape_cast %and3A_108 : vector<16xi32> to vector<16x1xi32>
    %gather3A_113 = vector.shape_cast %broadcast_in_dim3A_112 : vector<16x1xi32> to vector<16xi32>
    %gather3A_114 = tpu.dynamic_gather %select_n3A_102[%gather3A_113] in [0] : vector<16xi32>, vector<16xi32> -> vector<16xi32>
    %lt3A_115 = arith.cmpf olt, %gather3A_111, %select_n3A_101 : vector<16xf32>
    %eq3A_116 = arith.cmpf oeq, %gather3A_111, %select_n3A_101 : vector<16xf32>
    %lt3A_117 = arith.cmpi slt, %gather3A_114, %select_n3A_102 : vector<16xi32>
    %and3A_118 = arith.andi %eq3A_116, %lt3A_117 : vector<16xi1>
    %or3A_119 = arith.ori %lt3A_115, %and3A_118 : vector<16xi1>
    %select_n3A_120 = arith.select %or3A_119, %gather3A_111, %select_n3A_101 : vector<16xi1>, vector<16xf32>
    %select_n3A_121 = arith.select %or3A_119, %gather3A_114, %select_n3A_102 : vector<16xi1>, vector<16xi32>
    %slice3A = vector.extract_strided_slice %select_n3A_121 {offsets = [0], sizes = [1], strides = [1]} : vector<16xi32> to vector<1xi32>
    %squeeze3A = vector.extract %slice3A[0] : i32 from vector<1xi32>
    %eq3A_122 = arith.constant 7 : i32
    %eq3A_123 = arith.cmpi eq, %squeeze3A, %eq3A_122 : i32
    %add3A_124 = arith.constant 1 : i32
    %add3A_125 = arith.addi %squeeze3A, %add3A_124 : i32
    %eq3A_126 = arith.constant 0 : i32
    %eq3A_127 = arith.cmpi eq, %arg0, %eq3A_126 : i32
    %convert_element_type3A = arith.extui %eq3A_127 : i1 to i32
    %cond3A = arith.constant 0 : i32
    %cond3A_128 = arith.cmpi ne, %convert_element_type3A, %cond3A : i32
    scf.if %cond3A_128 {
      %add3A_134 = arith.constant 16 : i32
      %add3A_135 = arith.addi %arg1, %add3A_134 : i32
      %mul3A = arith.constant 48 : i32
      %mul3A_136 = arith.muli %arg1, %mul3A : i32
      %multiple_of3A = tpu.assume_multiple %mul3A_136, 8 : i32
      %mul3A_137 = arith.constant 48 : i32
      %mul3A_138 = arith.muli %add3A_135, %mul3A_137 : i32
      %multiple_of3A_139 = tpu.assume_multiple %mul3A_138, 8 : i32
      %lt3A_140 = arith.constant 30 : i32
      %lt3A_141 = arith.cmpi slt, %add3A_135, %lt3A_140 : i32
      %convert_element_type3A_142 = arith.extui %eq3A_123 : i1 to i32
      %cond3A_143 = arith.constant 0 : i32
      %cond3A_144 = arith.cmpi ne, %convert_element_type3A_142, %cond3A_143 : i32
      scf.if %cond3A_144 {
        %dma_start3A_173 = arith.constant 0 : i32
        %dma_start3A_174 = tpu.memref_slice %arg7[%multiple_of3A, %dma_start3A_173] : memref<1440x721xf32, #tpu.memory_space<hbm>> -> memref<48x721xf32, #tpu.memory_space<hbm>>
        %dma_start3A_175 = arith.constant 0 : i32
        %dma_start3A_176 = tpu.memref_slice %arg7[%multiple_of3A, %dma_start3A_175] : memref<1440x721xf32, #tpu.memory_space<hbm>> -> memref<48x721xf32, #tpu.memory_space<hbm>>
        tpu.enqueue_dma source(%dma_start3A_176 : memref<48x721xf32, #tpu.memory_space<hbm>>) target(%arg12 : memref<48x721xf32, #tpu.memory_space<vmem>>) target_semaphore(%arg14 : memref<!tpu.dma_semaphore, #tpu.memory_space<semaphore_mem>>)
      } else {
      }
      %not3A = arith.constant true
      %not3A_145 = arith.xori %eq3A_123, %not3A : i1
      %convert_element_type3A_146 = arith.extui %not3A_145 : i1 to i32
      %cond3A_147 = arith.constant 0 : i32
      %cond3A_148 = arith.cmpi ne, %convert_element_type3A_146, %cond3A_147 : i32
      scf.if %cond3A_148 {
        %dma_start3A_173 = arith.constant 0 : i32
        %dma_start3A_174 = tpu.memref_slice %arg5[%add3A_125, %multiple_of3A, %dma_start3A_173] : memref<8x1440x721xf32, #tpu.memory_space<hbm>> -> memref<1x48x721xf32, #tpu.memory_space<hbm>>
        %dma_start3A_175 = tpu.memref_squeeze %dma_start3A_174 : memref<1x48x721xf32, #tpu.memory_space<hbm>> -> memref<48x721xf32, #tpu.memory_space<hbm>>
        %dma_start3A_176 = arith.constant 0 : i32
        %dma_start3A_177 = tpu.memref_slice %arg5[%add3A_125, %multiple_of3A, %dma_start3A_176] : memref<8x1440x721xf32, #tpu.memory_space<hbm>> -> memref<1x48x721xf32, #tpu.memory_space<hbm>>
        %dma_start3A_178 = tpu.memref_squeeze %dma_start3A_177 : memref<1x48x721xf32, #tpu.memory_space<hbm>> -> memref<48x721xf32, #tpu.memory_space<hbm>>
        tpu.enqueue_dma source(%dma_start3A_178 : memref<48x721xf32, #tpu.memory_space<hbm>>) target(%arg12 : memref<48x721xf32, #tpu.memory_space<vmem>>) target_semaphore(%arg14 : memref<!tpu.dma_semaphore, #tpu.memory_space<semaphore_mem>>)
      } else {
      }
      %convert_element_type3A_149 = arith.extui %lt3A_141 : i1 to i32
      %cond3A_150 = arith.constant 0 : i32
      %cond3A_151 = arith.cmpi ne, %convert_element_type3A_149, %cond3A_150 : i32
      scf.if %cond3A_151 {
        %convert_element_type3A_173 = arith.extui %eq3A_123 : i1 to i32
        %cond3A_174 = arith.constant 0 : i32
        %cond3A_175 = arith.cmpi ne, %convert_element_type3A_173, %cond3A_174 : i32
        scf.if %cond3A_175 {
          %dma_start3A_181 = arith.constant 0 : i32
          %dma_start3A_182 = tpu.memref_slice %arg7[%multiple_of3A_139, %dma_start3A_181] : memref<1440x721xf32, #tpu.memory_space<hbm>> -> memref<48x721xf32, #tpu.memory_space<hbm>>
          %dma_start3A_183 = arith.constant 0 : i32
          %dma_start3A_184 = tpu.memref_slice %arg7[%multiple_of3A_139, %dma_start3A_183] : memref<1440x721xf32, #tpu.memory_space<hbm>> -> memref<48x721xf32, #tpu.memory_space<hbm>>
          tpu.enqueue_dma source(%dma_start3A_184 : memref<48x721xf32, #tpu.memory_space<hbm>>) target(%arg13 : memref<48x721xf32, #tpu.memory_space<vmem>>) target_semaphore(%arg15 : memref<!tpu.dma_semaphore, #tpu.memory_space<semaphore_mem>>)
        } else {
        }
        %not3A_176 = arith.constant true
        %not3A_177 = arith.xori %eq3A_123, %not3A_176 : i1
        %convert_element_type3A_178 = arith.extui %not3A_177 : i1 to i32
        %cond3A_179 = arith.constant 0 : i32
        %cond3A_180 = arith.cmpi ne, %convert_element_type3A_178, %cond3A_179 : i32
        scf.if %cond3A_180 {
          %dma_start3A_181 = arith.constant 0 : i32
          %dma_start3A_182 = tpu.memref_slice %arg5[%add3A_125, %multiple_of3A_139, %dma_start3A_181] : memref<8x1440x721xf32, #tpu.memory_space<hbm>> -> memref<1x48x721xf32, #tpu.memory_space<hbm>>
          %dma_start3A_183 = tpu.memref_squeeze %dma_start3A_182 : memref<1x48x721xf32, #tpu.memory_space<hbm>> -> memref<48x721xf32, #tpu.memory_space<hbm>>
          %dma_start3A_184 = arith.constant 0 : i32
          %dma_start3A_185 = tpu.memref_slice %arg5[%add3A_125, %multiple_of3A_139, %dma_start3A_184] : memref<8x1440x721xf32, #tpu.memory_space<hbm>> -> memref<1x48x721xf32, #tpu.memory_space<hbm>>
          %dma_start3A_186 = tpu.memref_squeeze %dma_start3A_185 : memref<1x48x721xf32, #tpu.memory_space<hbm>> -> memref<48x721xf32, #tpu.memory_space<hbm>>
          tpu.enqueue_dma source(%dma_start3A_186 : memref<48x721xf32, #tpu.memory_space<hbm>>) target(%arg13 : memref<48x721xf32, #tpu.memory_space<vmem>>) target_semaphore(%arg15 : memref<!tpu.dma_semaphore, #tpu.memory_space<semaphore_mem>>)
        } else {
        }
      } else {
      }
      %dma_wait3A_152 = arith.constant 0 : i32
      %dma_wait3A_153 = tpu.memref_slice %arg7[%multiple_of3A, %dma_wait3A_152] : memref<1440x721xf32, #tpu.memory_space<hbm>> -> memref<48x721xf32, #tpu.memory_space<hbm>>
      %dma_wait3A_154 = arith.constant 0 : i32
      %dma_wait3A_155 = tpu.memref_slice %arg7[%multiple_of3A, %dma_wait3A_154] : memref<1440x721xf32, #tpu.memory_space<hbm>> -> memref<48x721xf32, #tpu.memory_space<hbm>>
      tpu.wait_dma2 semaphore(%arg14 : memref<!tpu.dma_semaphore, #tpu.memory_space<semaphore_mem>>) src(%dma_wait3A_155 : memref<48x721xf32, #tpu.memory_space<hbm>>) dst(%arg12 : memref<48x721xf32, #tpu.memory_space<vmem>>)
      %dma_start3A_156 = arith.constant 0 : i32
      %dma_start3A_157 = arith.constant 0 : i32
      %dma_start3A_158 = tpu.memref_slice %arg9[%dma_start3A_156, %multiple_of3A, %dma_start3A_157] : memref<2x1440x721xf32, #tpu.memory_space<hbm>> -> memref<1x48x721xf32, #tpu.memory_space<hbm>>
      %dma_start3A_159 = tpu.memref_squeeze %dma_start3A_158 : memref<1x48x721xf32, #tpu.memory_space<hbm>> -> memref<48x721xf32, #tpu.memory_space<hbm>>
      %dma_start3A_160 = arith.constant 0 : i32
      %dma_start3A_161 = tpu.memref_slice %arg9[%dma_start3A_156, %multiple_of3A, %dma_start3A_160] : memref<2x1440x721xf32, #tpu.memory_space<hbm>> -> memref<1x48x721xf32, #tpu.memory_space<hbm>>
      %dma_start3A_162 = tpu.memref_squeeze %dma_start3A_161 : memref<1x48x721xf32, #tpu.memory_space<hbm>> -> memref<48x721xf32, #tpu.memory_space<hbm>>
      tpu.enqueue_dma source(%arg12 : memref<48x721xf32, #tpu.memory_space<vmem>>) target(%dma_start3A_162 : memref<48x721xf32, #tpu.memory_space<hbm>>) target_semaphore(%arg16 : memref<!tpu.dma_semaphore, #tpu.memory_space<semaphore_mem>>)
      %convert_element_type3A_163 = arith.extui %lt3A_141 : i1 to i32
      %cond3A_164 = arith.constant 0 : i32
      %cond3A_165 = arith.cmpi ne, %convert_element_type3A_163, %cond3A_164 : i32
      scf.if %cond3A_165 {
        %dma_wait3A_173 = arith.constant 0 : i32
        %dma_wait3A_174 = tpu.memref_slice %arg7[%multiple_of3A_139, %dma_wait3A_173] : memref<1440x721xf32, #tpu.memory_space<hbm>> -> memref<48x721xf32, #tpu.memory_space<hbm>>
        %dma_wait3A_175 = arith.constant 0 : i32
        %dma_wait3A_176 = tpu.memref_slice %arg7[%multiple_of3A_139, %dma_wait3A_175] : memref<1440x721xf32, #tpu.memory_space<hbm>> -> memref<48x721xf32, #tpu.memory_space<hbm>>
        tpu.wait_dma2 semaphore(%arg15 : memref<!tpu.dma_semaphore, #tpu.memory_space<semaphore_mem>>) src(%dma_wait3A_176 : memref<48x721xf32, #tpu.memory_space<hbm>>) dst(%arg13 : memref<48x721xf32, #tpu.memory_space<vmem>>)
        %dma_start3A_177 = arith.constant 0 : i32
        %dma_start3A_178 = arith.constant 0 : i32
        %dma_start3A_179 = tpu.memref_slice %arg9[%dma_start3A_177, %multiple_of3A_139, %dma_start3A_178] : memref<2x1440x721xf32, #tpu.memory_space<hbm>> -> memref<1x48x721xf32, #tpu.memory_space<hbm>>
        %dma_start3A_180 = tpu.memref_squeeze %dma_start3A_179 : memref<1x48x721xf32, #tpu.memory_space<hbm>> -> memref<48x721xf32, #tpu.memory_space<hbm>>
        %dma_start3A_181 = arith.constant 0 : i32
        %dma_start3A_182 = tpu.memref_slice %arg9[%dma_start3A_177, %multiple_of3A_139, %dma_start3A_181] : memref<2x1440x721xf32, #tpu.memory_space<hbm>> -> memref<1x48x721xf32, #tpu.memory_space<hbm>>
        %dma_start3A_183 = tpu.memref_squeeze %dma_start3A_182 : memref<1x48x721xf32, #tpu.memory_space<hbm>> -> memref<48x721xf32, #tpu.memory_space<hbm>>
        tpu.enqueue_dma source(%arg13 : memref<48x721xf32, #tpu.memory_space<vmem>>) target(%dma_start3A_183 : memref<48x721xf32, #tpu.memory_space<hbm>>) target_semaphore(%arg16 : memref<!tpu.dma_semaphore, #tpu.memory_space<semaphore_mem>>)
        %dma_wait3A_184 = arith.constant 0 : i32
        %dma_wait3A_185 = arith.constant 0 : i32
        %dma_wait3A_186 = tpu.memref_slice %arg9[%dma_wait3A_184, %multiple_of3A_139, %dma_wait3A_185] : memref<2x1440x721xf32, #tpu.memory_space<hbm>> -> memref<1x48x721xf32, #tpu.memory_space<hbm>>
        %dma_wait3A_187 = tpu.memref_squeeze %dma_wait3A_186 : memref<1x48x721xf32, #tpu.memory_space<hbm>> -> memref<48x721xf32, #tpu.memory_space<hbm>>
        %dma_wait3A_188 = arith.constant 0 : i32
        %dma_wait3A_189 = tpu.memref_slice %arg9[%dma_wait3A_184, %multiple_of3A_139, %dma_wait3A_188] : memref<2x1440x721xf32, #tpu.memory_space<hbm>> -> memref<1x48x721xf32, #tpu.memory_space<hbm>>
        %dma_wait3A_190 = tpu.memref_squeeze %dma_wait3A_189 : memref<1x48x721xf32, #tpu.memory_space<hbm>> -> memref<48x721xf32, #tpu.memory_space<hbm>>
        tpu.wait_dma2 semaphore(%arg16 : memref<!tpu.dma_semaphore, #tpu.memory_space<semaphore_mem>>) src(%arg13 : memref<48x721xf32, #tpu.memory_space<vmem>>) dst(%dma_wait3A_190 : memref<48x721xf32, #tpu.memory_space<hbm>>)
      } else {
      }
      %dma_wait3A_166 = arith.constant 0 : i32
      %dma_wait3A_167 = arith.constant 0 : i32
      %dma_wait3A_168 = tpu.memref_slice %arg9[%dma_wait3A_166, %multiple_of3A, %dma_wait3A_167] : memref<2x1440x721xf32, #tpu.memory_space<hbm>> -> memref<1x48x721xf32, #tpu.memory_space<hbm>>
      %dma_wait3A_169 = tpu.memref_squeeze %dma_wait3A_168 : memref<1x48x721xf32, #tpu.memory_space<hbm>> -> memref<48x721xf32, #tpu.memory_space<hbm>>
      %dma_wait3A_170 = arith.constant 0 : i32
      %dma_wait3A_171 = tpu.memref_slice %arg9[%dma_wait3A_166, %multiple_of3A, %dma_wait3A_170] : memref<2x1440x721xf32, #tpu.memory_space<hbm>> -> memref<1x48x721xf32, #tpu.memory_space<hbm>>
      %dma_wait3A_172 = tpu.memref_squeeze %dma_wait3A_171 : memref<1x48x721xf32, #tpu.memory_space<hbm>> -> memref<48x721xf32, #tpu.memory_space<hbm>>
      tpu.wait_dma2 semaphore(%arg16 : memref<!tpu.dma_semaphore, #tpu.memory_space<semaphore_mem>>) src(%arg12 : memref<48x721xf32, #tpu.memory_space<vmem>>) dst(%dma_wait3A_172 : memref<48x721xf32, #tpu.memory_space<hbm>>)
    } else {
    }
    %eq3A_129 = arith.constant 1 : i32
    %eq3A_130 = arith.cmpi eq, %arg0, %eq3A_129 : i32
    %convert_element_type3A_131 = arith.extui %eq3A_130 : i1 to i32
    %cond3A_132 = arith.constant 0 : i32
    %cond3A_133 = arith.cmpi ne, %convert_element_type3A_131, %cond3A_132 : i32
    scf.if %cond3A_133 {
      %add3A_134 = arith.constant 16 : i32
      %add3A_135 = arith.addi %arg1, %add3A_134 : i32
      %mul3A = arith.constant 48 : i32
      %mul3A_136 = arith.muli %arg1, %mul3A : i32
      %multiple_of3A = tpu.assume_multiple %mul3A_136, 8 : i32
      %mul3A_137 = arith.constant 48 : i32
      %mul3A_138 = arith.muli %add3A_135, %mul3A_137 : i32
      %multiple_of3A_139 = tpu.assume_multiple %mul3A_138, 8 : i32
      %lt3A_140 = arith.constant 30 : i32
      %lt3A_141 = arith.cmpi slt, %add3A_135, %lt3A_140 : i32
      %convert_element_type3A_142 = arith.extui %eq3A_123 : i1 to i32
      %cond3A_143 = arith.constant 0 : i32
      %cond3A_144 = arith.cmpi ne, %convert_element_type3A_142, %cond3A_143 : i32
      scf.if %cond3A_144 {
        %dma_start3A_173 = arith.constant 0 : i32
        %dma_start3A_174 = tpu.memref_slice %arg8[%multiple_of3A, %dma_start3A_173] : memref<1440x721xf32, #tpu.memory_space<hbm>> -> memref<48x721xf32, #tpu.memory_space<hbm>>
        %dma_start3A_175 = arith.constant 0 : i32
        %dma_start3A_176 = tpu.memref_slice %arg8[%multiple_of3A, %dma_start3A_175] : memref<1440x721xf32, #tpu.memory_space<hbm>> -> memref<48x721xf32, #tpu.memory_space<hbm>>
        tpu.enqueue_dma source(%dma_start3A_176 : memref<48x721xf32, #tpu.memory_space<hbm>>) target(%arg12 : memref<48x721xf32, #tpu.memory_space<vmem>>) target_semaphore(%arg14 : memref<!tpu.dma_semaphore, #tpu.memory_space<semaphore_mem>>)
      } else {
      }
      %not3A = arith.constant true
      %not3A_145 = arith.xori %eq3A_123, %not3A : i1
      %convert_element_type3A_146 = arith.extui %not3A_145 : i1 to i32
      %cond3A_147 = arith.constant 0 : i32
      %cond3A_148 = arith.cmpi ne, %convert_element_type3A_146, %cond3A_147 : i32
      scf.if %cond3A_148 {
        %dma_start3A_173 = arith.constant 0 : i32
        %dma_start3A_174 = tpu.memref_slice %arg6[%add3A_125, %multiple_of3A, %dma_start3A_173] : memref<8x1440x721xf32, #tpu.memory_space<hbm>> -> memref<1x48x721xf32, #tpu.memory_space<hbm>>
        %dma_start3A_175 = tpu.memref_squeeze %dma_start3A_174 : memref<1x48x721xf32, #tpu.memory_space<hbm>> -> memref<48x721xf32, #tpu.memory_space<hbm>>
        %dma_start3A_176 = arith.constant 0 : i32
        %dma_start3A_177 = tpu.memref_slice %arg6[%add3A_125, %multiple_of3A, %dma_start3A_176] : memref<8x1440x721xf32, #tpu.memory_space<hbm>> -> memref<1x48x721xf32, #tpu.memory_space<hbm>>
        %dma_start3A_178 = tpu.memref_squeeze %dma_start3A_177 : memref<1x48x721xf32, #tpu.memory_space<hbm>> -> memref<48x721xf32, #tpu.memory_space<hbm>>
        tpu.enqueue_dma source(%dma_start3A_178 : memref<48x721xf32, #tpu.memory_space<hbm>>) target(%arg12 : memref<48x721xf32, #tpu.memory_space<vmem>>) target_semaphore(%arg14 : memref<!tpu.dma_semaphore, #tpu.memory_space<semaphore_mem>>)
      } else {
      }
      %convert_element_type3A_149 = arith.extui %lt3A_141 : i1 to i32
      %cond3A_150 = arith.constant 0 : i32
      %cond3A_151 = arith.cmpi ne, %convert_element_type3A_149, %cond3A_150 : i32
      scf.if %cond3A_151 {
        %convert_element_type3A_173 = arith.extui %eq3A_123 : i1 to i32
        %cond3A_174 = arith.constant 0 : i32
        %cond3A_175 = arith.cmpi ne, %convert_element_type3A_173, %cond3A_174 : i32
        scf.if %cond3A_175 {
          %dma_start3A_181 = arith.constant 0 : i32
          %dma_start3A_182 = tpu.memref_slice %arg8[%multiple_of3A_139, %dma_start3A_181] : memref<1440x721xf32, #tpu.memory_space<hbm>> -> memref<48x721xf32, #tpu.memory_space<hbm>>
          %dma_start3A_183 = arith.constant 0 : i32
          %dma_start3A_184 = tpu.memref_slice %arg8[%multiple_of3A_139, %dma_start3A_183] : memref<1440x721xf32, #tpu.memory_space<hbm>> -> memref<48x721xf32, #tpu.memory_space<hbm>>
          tpu.enqueue_dma source(%dma_start3A_184 : memref<48x721xf32, #tpu.memory_space<hbm>>) target(%arg13 : memref<48x721xf32, #tpu.memory_space<vmem>>) target_semaphore(%arg15 : memref<!tpu.dma_semaphore, #tpu.memory_space<semaphore_mem>>)
        } else {
        }
        %not3A_176 = arith.constant true
        %not3A_177 = arith.xori %eq3A_123, %not3A_176 : i1
        %convert_element_type3A_178 = arith.extui %not3A_177 : i1 to i32
        %cond3A_179 = arith.constant 0 : i32
        %cond3A_180 = arith.cmpi ne, %convert_element_type3A_178, %cond3A_179 : i32
        scf.if %cond3A_180 {
          %dma_start3A_181 = arith.constant 0 : i32
          %dma_start3A_182 = tpu.memref_slice %arg6[%add3A_125, %multiple_of3A_139, %dma_start3A_181] : memref<8x1440x721xf32, #tpu.memory_space<hbm>> -> memref<1x48x721xf32, #tpu.memory_space<hbm>>
          %dma_start3A_183 = tpu.memref_squeeze %dma_start3A_182 : memref<1x48x721xf32, #tpu.memory_space<hbm>> -> memref<48x721xf32, #tpu.memory_space<hbm>>
          %dma_start3A_184 = arith.constant 0 : i32
          %dma_start3A_185 = tpu.memref_slice %arg6[%add3A_125, %multiple_of3A_139, %dma_start3A_184] : memref<8x1440x721xf32, #tpu.memory_space<hbm>> -> memref<1x48x721xf32, #tpu.memory_space<hbm>>
          %dma_start3A_186 = tpu.memref_squeeze %dma_start3A_185 : memref<1x48x721xf32, #tpu.memory_space<hbm>> -> memref<48x721xf32, #tpu.memory_space<hbm>>
          tpu.enqueue_dma source(%dma_start3A_186 : memref<48x721xf32, #tpu.memory_space<hbm>>) target(%arg13 : memref<48x721xf32, #tpu.memory_space<vmem>>) target_semaphore(%arg15 : memref<!tpu.dma_semaphore, #tpu.memory_space<semaphore_mem>>)
        } else {
        }
      } else {
      }
      %dma_wait3A_152 = arith.constant 0 : i32
      %dma_wait3A_153 = tpu.memref_slice %arg8[%multiple_of3A, %dma_wait3A_152] : memref<1440x721xf32, #tpu.memory_space<hbm>> -> memref<48x721xf32, #tpu.memory_space<hbm>>
      %dma_wait3A_154 = arith.constant 0 : i32
      %dma_wait3A_155 = tpu.memref_slice %arg8[%multiple_of3A, %dma_wait3A_154] : memref<1440x721xf32, #tpu.memory_space<hbm>> -> memref<48x721xf32, #tpu.memory_space<hbm>>
      tpu.wait_dma2 semaphore(%arg14 : memref<!tpu.dma_semaphore, #tpu.memory_space<semaphore_mem>>) src(%dma_wait3A_155 : memref<48x721xf32, #tpu.memory_space<hbm>>) dst(%arg12 : memref<48x721xf32, #tpu.memory_space<vmem>>)
      %dma_start3A_156 = arith.constant 1 : i32
      %dma_start3A_157 = arith.constant 0 : i32
      %dma_start3A_158 = tpu.memref_slice %arg9[%dma_start3A_156, %multiple_of3A, %dma_start3A_157] : memref<2x1440x721xf32, #tpu.memory_space<hbm>> -> memref<1x48x721xf32, #tpu.memory_space<hbm>>
      %dma_start3A_159 = tpu.memref_squeeze %dma_start3A_158 : memref<1x48x721xf32, #tpu.memory_space<hbm>> -> memref<48x721xf32, #tpu.memory_space<hbm>>
      %dma_start3A_160 = arith.constant 0 : i32
      %dma_start3A_161 = tpu.memref_slice %arg9[%dma_start3A_156, %multiple_of3A, %dma_start3A_160] : memref<2x1440x721xf32, #tpu.memory_space<hbm>> -> memref<1x48x721xf32, #tpu.memory_space<hbm>>
      %dma_start3A_162 = tpu.memref_squeeze %dma_start3A_161 : memref<1x48x721xf32, #tpu.memory_space<hbm>> -> memref<48x721xf32, #tpu.memory_space<hbm>>
      tpu.enqueue_dma source(%arg12 : memref<48x721xf32, #tpu.memory_space<vmem>>) target(%dma_start3A_162 : memref<48x721xf32, #tpu.memory_space<hbm>>) target_semaphore(%arg16 : memref<!tpu.dma_semaphore, #tpu.memory_space<semaphore_mem>>)
      %convert_element_type3A_163 = arith.extui %lt3A_141 : i1 to i32
      %cond3A_164 = arith.constant 0 : i32
      %cond3A_165 = arith.cmpi ne, %convert_element_type3A_163, %cond3A_164 : i32
      scf.if %cond3A_165 {
        %dma_wait3A_173 = arith.constant 0 : i32
        %dma_wait3A_174 = tpu.memref_slice %arg8[%multiple_of3A_139, %dma_wait3A_173] : memref<1440x721xf32, #tpu.memory_space<hbm>> -> memref<48x721xf32, #tpu.memory_space<hbm>>
        %dma_wait3A_175 = arith.constant 0 : i32
        %dma_wait3A_176 = tpu.memref_slice %arg8[%multiple_of3A_139, %dma_wait3A_175] : memref<1440x721xf32, #tpu.memory_space<hbm>> -> memref<48x721xf32, #tpu.memory_space<hbm>>
        tpu.wait_dma2 semaphore(%arg15 : memref<!tpu.dma_semaphore, #tpu.memory_space<semaphore_mem>>) src(%dma_wait3A_176 : memref<48x721xf32, #tpu.memory_space<hbm>>) dst(%arg13 : memref<48x721xf32, #tpu.memory_space<vmem>>)
        %dma_start3A_177 = arith.constant 1 : i32
        %dma_start3A_178 = arith.constant 0 : i32
        %dma_start3A_179 = tpu.memref_slice %arg9[%dma_start3A_177, %multiple_of3A_139, %dma_start3A_178] : memref<2x1440x721xf32, #tpu.memory_space<hbm>> -> memref<1x48x721xf32, #tpu.memory_space<hbm>>
        %dma_start3A_180 = tpu.memref_squeeze %dma_start3A_179 : memref<1x48x721xf32, #tpu.memory_space<hbm>> -> memref<48x721xf32, #tpu.memory_space<hbm>>
        %dma_start3A_181 = arith.constant 0 : i32
        %dma_start3A_182 = tpu.memref_slice %arg9[%dma_start3A_177, %multiple_of3A_139, %dma_start3A_181] : memref<2x1440x721xf32, #tpu.memory_space<hbm>> -> memref<1x48x721xf32, #tpu.memory_space<hbm>>
        %dma_start3A_183 = tpu.memref_squeeze %dma_start3A_182 : memref<1x48x721xf32, #tpu.memory_space<hbm>> -> memref<48x721xf32, #tpu.memory_space<hbm>>
        tpu.enqueue_dma source(%arg13 : memref<48x721xf32, #tpu.memory_space<vmem>>) target(%dma_start3A_183 : memref<48x721xf32, #tpu.memory_space<hbm>>) target_semaphore(%arg16 : memref<!tpu.dma_semaphore, #tpu.memory_space<semaphore_mem>>)
        %dma_wait3A_184 = arith.constant 1 : i32
        %dma_wait3A_185 = arith.constant 0 : i32
        %dma_wait3A_186 = tpu.memref_slice %arg9[%dma_wait3A_184, %multiple_of3A_139, %dma_wait3A_185] : memref<2x1440x721xf32, #tpu.memory_space<hbm>> -> memref<1x48x721xf32, #tpu.memory_space<hbm>>
        %dma_wait3A_187 = tpu.memref_squeeze %dma_wait3A_186 : memref<1x48x721xf32, #tpu.memory_space<hbm>> -> memref<48x721xf32, #tpu.memory_space<hbm>>
        %dma_wait3A_188 = arith.constant 0 : i32
        %dma_wait3A_189 = tpu.memref_slice %arg9[%dma_wait3A_184, %multiple_of3A_139, %dma_wait3A_188] : memref<2x1440x721xf32, #tpu.memory_space<hbm>> -> memref<1x48x721xf32, #tpu.memory_space<hbm>>
        %dma_wait3A_190 = tpu.memref_squeeze %dma_wait3A_189 : memref<1x48x721xf32, #tpu.memory_space<hbm>> -> memref<48x721xf32, #tpu.memory_space<hbm>>
        tpu.wait_dma2 semaphore(%arg16 : memref<!tpu.dma_semaphore, #tpu.memory_space<semaphore_mem>>) src(%arg13 : memref<48x721xf32, #tpu.memory_space<vmem>>) dst(%dma_wait3A_190 : memref<48x721xf32, #tpu.memory_space<hbm>>)
      } else {
      }
      %dma_wait3A_166 = arith.constant 1 : i32
      %dma_wait3A_167 = arith.constant 0 : i32
      %dma_wait3A_168 = tpu.memref_slice %arg9[%dma_wait3A_166, %multiple_of3A, %dma_wait3A_167] : memref<2x1440x721xf32, #tpu.memory_space<hbm>> -> memref<1x48x721xf32, #tpu.memory_space<hbm>>
      %dma_wait3A_169 = tpu.memref_squeeze %dma_wait3A_168 : memref<1x48x721xf32, #tpu.memory_space<hbm>> -> memref<48x721xf32, #tpu.memory_space<hbm>>
      %dma_wait3A_170 = arith.constant 0 : i32
      %dma_wait3A_171 = tpu.memref_slice %arg9[%dma_wait3A_166, %multiple_of3A, %dma_wait3A_170] : memref<2x1440x721xf32, #tpu.memory_space<hbm>> -> memref<1x48x721xf32, #tpu.memory_space<hbm>>
      %dma_wait3A_172 = tpu.memref_squeeze %dma_wait3A_171 : memref<1x48x721xf32, #tpu.memory_space<hbm>> -> memref<48x721xf32, #tpu.memory_space<hbm>>
      tpu.wait_dma2 semaphore(%arg16 : memref<!tpu.dma_semaphore, #tpu.memory_space<semaphore_mem>>) src(%arg12 : memref<48x721xf32, #tpu.memory_space<vmem>>) dst(%dma_wait3A_172 : memref<48x721xf32, #tpu.memory_space<hbm>>)
    } else {
    }
    return
  }
}

</mosaic_0001>

<sc_bundles>
// kernel: kernel.3.cloned.1.call-start
scs
__scs_entry_jumppad:
0x0: {  	(pc) =	sbr.rel $0x88, $3  }
0x1: {  	(tag) =	ssettag $0x0;
	lr =	simm.s32 $0x1  }
0x2: {  	[smem:$0x3F9A] =	sst lr;
	_ =	strace $0xD0000000  }
0x3: {  	_ = 	snop  }
0x4: {  	_ = 	snop  }
0x5: {  	_ = 	snop  }
0x6: {  	_ = 	snop  }
0x7: {  	_ = 	snop  }
__scs_overlays_trampoline_lowered:
0x8: {  	[smem:$0x3FA9] =	sst s0  }
0x9: {  	[smem:$0x3FAA] =	sst s1  }
0xa: {  	[smem:$0x3FAB] =	sst s2  }
0xb: {  	[smem:$0x3FAC] =	sst s3  }
0xc: {  	[smem:$0x3FAD] =	sst s4  }
0xd: {  	[smem:$0x3FAE] =	sst s5  }
0xe: {  	[smem:$0x3FAF] =	sst s6  }
0xf: {  	[smem:$0x3FB0] =	sst s7  }
0x10: {  	[smem:$0x3FB1] =	sst s8  }
0x11: {  	[smem:$0x3FB2] =	sst s9;
	s0 =	simm.s32 @!p0 $0x0  }
0x12: {  	s1 =	sld [smem:$0x3F98];
	s0 =	simm.s32 @p0 $0x1  }
0x13: {  	[smem:$0x3FB3] =	sst s0;
	s0 =	simm.s32 @!p1 $0x0  }
0x14: {  	s2 =	sld [smem:$0x3F97];
	s0 =	simm.s32 @p1 $0x1  }
0x15: {  	[smem:$0x3FB4] =	sst s0;
	s0 =	simm.s32 @!p2 $0x0  }
0x16: {  	s3 =	sld [smem:$0x3FDB];
	s0 =	simm.s32 @p2 $0x1  }
0x17: {  	s4 =	simm.s32 $0x1BF5;
	[smem:$0x3FB6] =	sst s0  }
0x18: {  	s0 =	sld [smem:$0x3F99];
	_ =	swait.ge [sflag:s4], $0x0  }
0x19: {  	s7 =	sld [smem:$0x3F9A]  }
0x1a: {  	s8 =	sadd.s32 $0xFFFFE003, lr  }
0x1b: {  	s9 =	sadd.s32 $0xFFFFFEF7, lr;
	s5 =	simm.s32 $0xFFFFFFFF;
	p2 =	slt.u32 s8, $0xFFFFF086  }
0x1c: {  	p1 =	slt.u32 s9, $0xF7A;
	s5 =	simm.s32 @!p2 $0x0  }
0x1d: {  	s5 =	simm.s32 @p1 $0x1;
	p0 =	seq.s32 s7, s2  }
0x1e: {  	s7 =	smul.u32 @!p0 $0xF7A, s2;
	p2 =	seq.s32 @!p0 s5, $0x0  }
0x1f: {  	s9 =	smul.u32 $0xF7A, s1;
	s8 =	simm.s32 @!p0 $0x1BF5;
	p2 =	por !p2, p0  }
0x20: {  	[sflag:s8] =	ssyncset.s32 @!p0 $0xFFFFF086;
	s6 =	sadd.s32 @!p0 s3, s7;
	s7 =	simm.s32 @!p0 $0x108  }
0x21: {  	s3 =	sadd.s32 s3, s9;
	s6 =	sadd.s32 @!p0 $0x88, s6;
	s7 =	simm.s32 @p2 $0x1082  }
0x22: {  	[simem:s7], [sflag:s8] =	dma.local @!p0 [hbm:s6], $0xF7A  }
0x23: {  	s9 =	sor.u32 $0xD0000000, s2;
	s6 =	simm.s32 $0x108;
	_ =	swait.ge @!p0 [sflag:s8], $0x0  }
0x24: {  	s3 =	sadd.s32 $0x88, s3;
	s6 =	simm.s32 @!p1 $0x1082;
	[sflag:s4] =	ssyncset.s32 $0xFFFFF086  }
0x25: {  	[simem:s6], [sflag:s4] =	dma.local [hbm:s3], $0xF7A  }
0x26: {  	[smem:$0x3F9A] =	sst s1;
	(tag) =	ssettag s2;
	_ =	strace s9  }
0x27: {  	s1 =	sld [smem:$0x3FAA]  }
0x28: {  	s2 =	sld [smem:$0x3FAB]  }
0x29: {  	s4 =	sld [smem:$0x3FAD]  }
0x2a: {  	p0 =	seq.s32 s5, $0x0;
	s5 =	sld [smem:$0x3FAE]  }
0x2b: {  	s6 =	sld [smem:$0x3FAF]  }
0x2c: {  	s7 =	sld [smem:$0x3FB0]  }
0x2d: {  	s3 =	simm.s32 $0x108;
	s8 =	sld [smem:$0x3FB1]  }
0x2e: {  	s3 =	simm.s32 @!p0 $0x1082;
	s9 =	sld [smem:$0x3FB2]  }
0x2f: {  	lr =	sadd.s32 s0, s3;
	s0 =	sld [smem:$0x3FA9]  }
0x30: {  	s3 =	sld [smem:$0x3FAC]  }
0x31: {  	[smem:$0x3FB5] =	sst s10  }
0x32: {  	s10 =	sld [smem:$0x3FB3];
	_ =	sdelay $0x3  }
0x33: {  	p0 =	seq.s32 s10, $0x1;
	s10 =	sld [smem:$0x3FB5];
	_ =	sdelay $0x3  }
0x34: {  	[smem:$0x3FB5] =	sst s10  }
0x35: {  	s10 =	sld [smem:$0x3FB4];
	_ =	sdelay $0x3  }
0x36: {  	p1 =	seq.s32 s10, $0x1;
	s10 =	sld [smem:$0x3FB5];
	_ =	sdelay $0x3  }
0x37: {  	[smem:$0x3FB5] =	sst s10  }
0x38: {  	s10 =	sld [smem:$0x3FB6]  }
0x39: {  	_ = 	snop;
	(pc) =	sbr.ind lr, $3  }
0x3a: {  	_ = 	snop  }
0x3b: {  	_ = 	snop  }
0x3c: {  	p2 =	seq.s32 s10, $0x1;
	s10 =	sld [smem:$0x3FB5]  }
0x3d: {  	_ =	shalt  }
0x3e: {  	_ =	shalt  }
0x3f: {  	_ =	shalt  }
0x40: {  	_ =	shalt  }
0x41: {  	_ =	shalt  }
0x42: {  	_ =	shalt  }
0x43: {  	_ =	shalt  }
0x44: {  	_ =	shalt  }
0x45: {  	_ =	shalt  }
0x46: {  	_ =	shalt  }
0x47: {  	_ =	shalt  }
0x48: {  	_ =	shalt  }
0x49: {  	_ =	shalt  }
0x4a: {  	_ =	shalt  }
0x4b: {  	_ =	shalt  }
0x4c: {  	_ =	shalt  }
0x4d: {  	_ =	shalt  }
0x4e: {  	_ =	shalt  }
0x4f: {  	_ =	shalt  }
0x50: {  	_ =	shalt  }
0x51: {  	_ =	shalt  }
0x52: {  	_ =	shalt  }
0x53: {  	_ =	shalt  }
0x54: {  	_ =	shalt  }
0x55: {  	_ =	shalt  }
0x56: {  	_ =	shalt  }
0x57: {  	_ =	shalt  }
0x58: {  	_ =	shalt  }
0x59: {  	_ =	shalt  }
0x5a: {  	_ =	shalt  }
0x5b: {  	_ =	shalt  }
0x5c: {  	_ =	shalt  }
0x5d: {  	_ =	shalt  }
0x5e: {  	_ =	shalt  }
0x5f: {  	_ =	shalt  }
0x60: {  	_ =	shalt  }
0x61: {  	_ =	shalt  }
0x62: {  	_ =	shalt  }
0x63: {  	_ =	shalt  }
0x64: {  	_ =	shalt  }
0x65: {  	_ =	shalt  }
0x66: {  	_ =	shalt  }
0x67: {  	_ =	shalt  }
0x68: {  	_ =	shalt  }
0x69: {  	_ =	shalt  }
0x6a: {  	_ =	shalt  }
0x6b: {  	_ =	shalt  }
0x6c: {  	_ =	shalt  }
0x6d: {  	_ =	shalt  }
0x6e: {  	_ =	shalt  }
0x6f: {  	_ =	shalt  }
0x70: {  	_ =	shalt  }
0x71: {  	_ =	shalt  }
0x72: {  	_ =	shalt  }
0x73: {  	_ =	shalt  }
0x74: {  	_ =	shalt  }
0x75: {  	_ =	shalt  }
0x76: {  	_ =	shalt  }
0x77: {  	_ =	shalt  }
0x78: {  	_ =	shalt  }
0x79: {  	_ =	shalt  }
0x7a: {  	_ =	shalt  }
0x7b: {  	_ =	shalt  }
0x7c: {  	_ =	shalt  }
0x7d: {  	_ =	shalt  }
0x7e: {  	_ =	shalt  }
0x7f: {  	_ =	shalt  }
0x80: {  	_ =	shalt  }
0x81: {  	_ =	shalt  }
0x82: {  	_ =	shalt  }
0x83: {  	_ =	shalt  }
0x84: {  	_ =	shalt  }
0x85: {  	_ =	shalt  }
0x86: {  	_ =	shalt  }
0x87: {  	_ =	shalt  }
.Lfunc_end0:
.L_simem_size_0:
called_computation_lowered:
.L_overlay_start_0:
0x88: {  	s2 =	sld [smem:$0x3FD9]  }
0x89: {  	s3 =	sld [smem:$0x3FFE];
	_ =	sdelay $0x1  }
0x8a: {  	s1 =	srdreg.scid  }
0x8b: {  	s0 =	sand.u32 $0x1, s1  }
0x8c: {  	s18 =	sshll.u32 s0, $0xA;
	s2 =	sadd.s32 s3, s2  }
0x8d: {  	s2 =	sadd.s32 s2, s18  }
0x8e: {  	[smem:$0x3FC1] =	sst s2  }
0x8f: {  	_ = 	snop  }
0x90: {  	s2 =	sld [smem:$0x3FC9]  }
0x91: {  	s19 =	sld [smem:$0x3FC8]  }
0x92: {  	s4 =	sld [smem:$0x3FC7]  }
0x93: {  	s5 =	sld [smem:$0x3FC6]  }
0x94: {  	s6 =	sld [smem:$0x3FC5]  }
0x95: {  	s7 =	sld [smem:$0x3FC4]  }
0x96: {  	s8 =	sld [smem:$0x3FC3]  }
0x97: {  	s9 =	sld [smem:$0x3FD0];
	(tm) =	ssettm $0x1  }
0x98: {  	s10 =	sld [smem:$0x3FFB];
	_ =	sdelay $0x3  }
0x99: {  	_ =	strace s10  }
0x9a: {  	s10 =	sld [smem:$0x3FFC];
	_ =	sdelay $0x3  }
0x9b: {  	_ =	strace s10  }
0x9c: {  	s10 =	sld [smem:$0x3FFD];
	_ =	sdelay $0x3  }
0x9d: {  	_ =	strace s10  }
0x9e: {  	_ =	strace $0x8FFFFFFF  }
0x9f: {  	s20 =	sld [smem:$0x3FDB];
	_ =	sdelay $0x1  }
0xa0: {  	s11 =	simm.s32 $_scs_section_size  }
0xa1: {  	s12 =	simm.s32 $_size__tile_overlayer_lowered;
	s13 =	simm.s32 $_tile_overlayer_lowered  }
0xa2: {  	s23 =	simm.s32 $0x1BFF;
	s22 =	sshll.u32 s13, $0x1;
	s10 =	sadd.s32 s11, s20  }
0xa3: {  	s14 =	simm.s32 $0x0;
	s21 =	sshll.u32 s12, $0x1;
	s12 =	sadd.s32 s22, s10  }
0xa4: {  	[timem:s14], [sflag:s23] =	dma.local [hbm:s12], s21  }
0xa5: {  	_ =	swait.ge [sflag:s23], s21  }
0xa6: {  	s11 =	ssub.s32 $0x0, s21;
	[sflag:s23] =	ssyncset.done $0x0  }
0xa7: {  	[sflag:s23] =	ssyncadd.s32 s11;
	_ =	sdelay $0x1  }
0xa8: {  	s24 =	simm.s32 $0x1B8B  }
0xa9: {  	_ =	swait.ge [sflag:s24], $0x1  }
0xaa: {  	[sflag:s24] =	ssyncset.done $0x0  }
0xab: {  	s25 =	simm.s32 $0x1B8E;
	[sflag:s24] =	ssyncadd.s32 $0xFFFFFFFF  }
0xac: {  	s26 =	simm.s32 $execute0_lowered;
	[smem:$0x3FD2] =	sst s25  }
0xad: {  	s11 =	sshll.u32 s26, $0x1;
	_ =	strace $0x80000046;
	[dreg:$0x1] =	wrdreg $0xFFFFFFFF  }
0xae: {  	s28 =	simm.s32 $_size_execute0_lowered;
	s10 =	sadd.s32 s10, s11;
	[dreg:$0x0] =	wrdreg $0x0  }
0xaf: {  	s11 =	sshll.u32 s28, $0x1;
	[dreg:$0x2] =	wrdreg s10  }
0xb0: {  	[dreg:$0x3] =	wrdreg s11  }
0xb1: {  	[dreg:$0x4] =	wrdreg $0xC0  }
0xb2: {  	_ =	task [dreg:s14], $0x5FFFF  }
0xb3: {  	[dreg:$0x1] =	wrdreg $0xFFFFFFFF  }
0xb4: {  	[dreg:$0x0] =	wrdreg $0x60  }
0xb5: {  	[dreg:$0x2] =	wrdreg s4  }
0xb6: {  	[dreg:$0x3] =	wrdreg s7  }
0xb7: {  	[dreg:$0x4] =	wrdreg s8  }
0xb8: {  	[dreg:$0x5] =	wrdreg s2  }
0xb9: {  	[dreg:$0x6] =	wrdreg s19  }
0xba: {  	[dreg:$0x7] =	wrdreg s5  }
0xbb: {  	[dreg:$0x8] =	wrdreg s6  }
0xbc: {  	[dreg:$0x9] =	wrdreg s9  }
0xbd: {  	[dreg:$0xa] =	wrdreg $0x9  }
0xbe: {  	_ =	task.clear_ibuf [dreg:s14], $0xBFFFF;
	_ =	strace $0x90000046  }
0xbf: {  	s29 =	simm.s32 $0x9;
	_ =	strace $0x80000048  }
0xc0: {  	_ =	swait.ge [sflag:s29], $0x1  }
0xc1: {  	[sflag:s29] =	ssyncadd.s32 $0xFFFFFFFF  }
0xc2: {  	_ =	strace $0x90000048  }
0xc3: {  	_ =	sfence  }
0xc4: {  	s30 =	sld [smem:$0x0];
	_ =	sdelay $0x2  }
0xc5: {  	s31 =	sshll.u32 s1, $0xD;
	s1 =	sshrl.u32 s1, $0x2  }
0xc6: {  	s3 =	sand.u32 $0x4000, s31;
	s1 =	sadd.s32 s1, s30  }
0xc7: {  	s0 =	sor.u32 s3, s0;
	s1 =	sshll.u32 s1, $0x11  }
0xc8: {  	s0 =	sor.u32 s1, s0  }
0xc9: {  	s0 =	sadd.s32 $0x8F2B, s0  }
0xca: {  	[sflag:s0] =	ssyncadd.remote.s32 $0x1  }
0xcb: {  	_ =	sfence.sel $0xFFFF  }
0xcc: {  	[dreg:$0x0] =	wrdreg $0xFFFFFFFF;
	(pc) =	sbr.abs _section_cstart, $3  }
0xcd: {  	[dreg:$0x1] =	wrdreg $0xFFFFFFFF  }
0xce: {  	_ =	task.clear_ibuf [dreg:s14], $0x2FFFF;
	_ =	strace $0x9FFFFFFF  }
0xcf: {  	(tm) =	ssettm $0x7FFFFFFF  }
tec
execute0_lowered:
.L_overlay_start_1:
0x0: {  	(tag) =	ssettag $0x1  }
0x1: {  	s0 =	rddreg [dreg:$0x0]  }
0x2: {  	s1 =	rddreg [dreg:$0x1]  }
0x3: {  	s2 =	rddreg [dreg:$0x2]  }
0x4: {  	s3 =	rddreg [dreg:$0x3]  }
0x5: {  	s4 =	rddreg [dreg:$0x4]  }
0x6: {  	s12 =	rddreg [dreg:$0x5]  }
0x7: {  	v0 =	vimm.s32 $0xFFEDCBA9;
	v1 =	vimm.s32 $0x87654321;
	v2 =	vimm.s32 $0xFEDCBA9;
	s15 =	rddreg [dreg:$0x6]  }
0x8: {  	s5 =	stileid.u32;
	s16 =	rddreg [dreg:$0x7];
	v0 =	vunpack.c.l.s4.s8 v0;
	v1 =	vunpack.c.l.s4.s8 v1;
	v2 =	vunpack.c.l.s4.s8 v2  }
0x9: {  	s8 =	srdreg.scid;
	s6 =	rddreg [dreg:$0x8];
	v4 =	vimm.s32 $0x98765432;
	v5 =	vimm.s32 $0x3210FEDC;
	s21 =	simm.s32 $0x1  }
0xa: {  	s22 =	simm.s32 $0x2;
	s23 =	simm.s32 $0x3;
	s7 =	smul.u32 $0x30, s5;
	v0 =	vunpack.c.0.s8.s32 v0;
	v3 =	vunpack.c.0.s8.s32 v1;
	v2 =	vunpack.c.0.s8.s32 v2  }
0xb: {  	v6 =	vimm.s32 $0xBA987654;
	v9 =	vimm.s32 $0x76543210;
	s24 =	simm.s32 $0x100;
	s25 =	simm.s32 $0x9100;
	s9 =	sand.u32 $0x1, s8  }
0xc: {  	p1 =	slt.u32 s5, $0xE;
	p2 =	sgt.u32 s5, $0xD;
	s10 =	sshrl.u32 s7, $0x3;
	v0 =	vcombine.low v3, v0;
	v2 =	vcombine.low v3, v2;
	v3 =	vimm.s32 $0x10FEDCBA  }
0xd: {  	vm0 =	vcmask $0x1B20;
	vm1 =	vmmov $0xff;
	s11 =	ssub.s32 $0x2, s9;
	s7 =	simm.s32 $0x0;
	s8 =	smul.u32 $0x1800, s10;
	v3 =	vunpack.c.l.s4.s8 v3  }
0xe: {  	v4 =	vunpack.c.l.s4.s8 v4;
	v5 =	vunpack.c.l.s4.s8 v5;
	v9 =	vunpack.c.l.s4.s8 v9;
	s13 =	sshrl.u32 s11, $0x1;
	[smem:$0x7FF] =	sst s7;
	s14 =	smul.u32 $0x300, s10  }
0xf: {  	p0 =	seq.s32 s9, $0x1;
	s18 =	ssub.s32 s11, s13;
	_ =	strace $0x80000047;
	v7 =	vunpack.c.0.s8.s32 v3;
	v3 =	vunpack.c.l.s4.s8 v6;
	v6 =	vimm.s32 $0xFEDCBA98  }
0x10: {  	v4 =	vunpack.c.0.s8.s32 v4;
	v5 =	vunpack.c.0.s8.s32 v5;
	s18 =	smax.u32 s18, $0x1;
	s9 =	sadd.s32 $0x90000, s8;
	s10 =	sadd.s32 s12, s14;
	v6 =	vunpack.c.l.s4.s8 v6  }
.Ltmp0:
0x11: {  	s17 =	sadd.s32 $0x12000, s14;
	s11 =	sadd.s32 s16, s14;
	v2 =	vand.u32 $0xF, v2;
	v8 =	vunpack.c.0.s8.s32 v3;
	v3 =	vlaneseq.u32;
	(pc) =	sbr.rel .LBB2_1-.Ltmp0, $4  }
0x12: {  	s14 =	sadd.s32 s15, s14;
	s19 =	sshrl.u32 s8, $0x3;
	s12 =	sadd.s32 s12, s17;
	v7 =	vcombine.low v4, v7;
	v4 =	vperm.xlane v3, v2;
	v6 =	vunpack.c.0.s8.s32 v6  }
0x13: {  	v1 =	vimm.s32 $0x0;
	v9 =	vunpack.c.0.s8.s32 v9;
	s13 =	sadd.s32 s16, s17;
	s20 =	sshrl.u32 s9, $0x3;
	s15 =	sadd.s32 s15, s17;
	v8 =	vcombine.low v8, v5  }
0x14: {  	s30 =	sadd.s32 s16, s19;
	s19 =	simm.s32 $0x80;
	s31 =	sadd.s32 s16, s20;
	v5 =	vimm.s32 $0x8;
	vm2 =	vlt.s32 v4, v3;
	v10 =	vand.u32 $0xF, v6  }
0x15: {  	s16 =	sadd.s32 $0x21C00, s30;
	s20 =	simm.s32 $0x88;
	s17 =	sadd.s32 $0x21C00, s31;
	v6 =	vand.u32 $0xF, v7;
	v7 =	vand.u32 $0xF, v8;
	v8 =	vcombine.low v10, v9  }
.LBB2_4:
0x16: {  	_ =	swait.ge [sflag:s21], $0x9000  }
0x17: {  	[sflag:s21] =	ssyncset.done $0x0  }
0x18: {  	[sflag:s21] =	ssyncadd.s32 $0xFFFF7000  }
0x19: {  	[hbm4b:s11+s7] =	stream.linear.scatter [tilespmem:s24], [sflag:$0x3], $0x9000, $0x38;
	[tilespmem:$0x12100] =	vst v63  }
.LBB2_14:
0x1a: {  	s18 =	sadd.s32 $0xFFFFFFFF, s18  }
0x1b: {  	p3 =	sne.s32 s18, $0x0  }
.Ltmp1:
0x1c: {  	_ = 	snop;
	(pc) =	sbr.rel @!p3 .LBB2_15-.Ltmp1, $4  }
0x1d: {  	_ = 	snop  }
0x1e: {  	_ =	swait.ge [sflag:s23], $0x9000  }
0x1f: {  	[sflag:s23] =	ssyncset.done $0x0  }
0x20: {  	[sflag:s23] =	ssyncadd.s32 $0xFFFF7000  }
.LBB2_1:
0x21: {  	[tilespmem:s7], [sflag:$0x1] =	stream.linear.gather [hbm4b:s0+s7], $0x8, $0x38;
	[tilespmem:$0x12100] =	vst v63  }
0x22: {  	_ = 	snop  }
0x23: {  	[tilespmem:s19], [sflag:$0x2] =	stream.linear.gather [hbm4b:s1+s7], $0x1, $0x38;
	[tilespmem:$0x12100] =	vst v63  }
0x24: {  	_ = 	snop  }
0x25: {  	[tilespmem:s20], [sflag:$0x3] =	stream.linear.gather [hbm4b:s2+s7], $0x1, $0x38;
	[tilespmem:$0x12100] =	vst v63  }
0x26: {  	_ =	swait.ge [sflag:s21], $0x8  }
0x27: {  	[sflag:s21] =	ssyncset.done $0x0  }
0x28: {  	[sflag:s21] =	ssyncadd.s32 $0xFFFFFFF8  }
0x29: {  	_ =	swait.ge [sflag:s22], $0x1  }
0x2a: {  	[sflag:s22] =	ssyncset.done $0x0  }
0x2b: {  	[sflag:s22] =	ssyncadd.s32 $0xFFFFFFFF  }
0x2c: {  	_ =	swait.ge [sflag:s23], $0x1  }
0x2d: {  	[sflag:s23] =	ssyncset.done $0x0  }
0x2e: {  	[sflag:s23] =	ssyncadd.s32 $0xFFFFFFFF  }
0x2f: {  	v9 =	vld [tilespmem:$0x0]  }
0x30: {  	v10 =	vld [tilespmem:$0x80];
	_ =	sdelay $0x4  }
0x31: {  	v9 =	vperm.xlane v9, v0;
	v11 =	vperm.xlane v10, v1  }
0x32: {  	v10 =	vperm.xlane v10, v5  }
0x33: {  	v9 =	vsel vm0, v9, v11  }
0x34: {  	v9 =	vsub.f32 v9, v10;
	_ =	sdelay $0x1  }
0x35: {  	v9 =	vand.u32 $0x7FFFFFFF, v9  }
0x36: {  	v9 =	vnsel vm1, $0x7F800000, v9  }
0x37: {  	v10 =	vperm.xlane v9, v2;
	_ =	sdelay $0x1  }
0x38: {  	vm3 =	veq.f32 v10, v9  }
0x39: {  	vm4 =	vlt.f32 v10, v9;
	vm3 =	vmand vm2, vm3  }
0x3a: {  	vm3 =	vmor vm4, vm3  }
0x3b: {  	v9 =	vsel vm3, v10, v9;
	v10 =	vsel vm3, v4, v3  }
0x3c: {  	v11 =	vperm.xlane v9, v6;
	v12 =	vperm.xlane v10, v6;
	_ =	sdelay $0x1  }
0x3d: {  	vm3 =	veq.f32 v11, v9;
	vm11 =	vlt.s32 v12, v10  }
0x3e: {  	vm5 =	vlt.f32 v11, v9;
	vm3 =	vmand vm3, vm11  }
0x3f: {  	vm3 =	vmor vm5, vm3  }
0x40: {  	v9 =	vsel vm3, v11, v9;
	v10 =	vsel vm3, v12, v10  }
0x41: {  	v11 =	vperm.xlane v9, v7;
	v12 =	vperm.xlane v10, v7;
	_ =	sdelay $0x1  }
0x42: {  	vm3 =	veq.f32 v11, v9;
	vm12 =	vlt.s32 v12, v10  }
0x43: {  	vm13 =	vlt.f32 v11, v9;
	vm3 =	vmand vm3, vm12  }
0x44: {  	vm3 =	vmor vm13, vm3  }
0x45: {  	v9 =	vsel vm3, v11, v9;
	v10 =	vsel vm3, v12, v10  }
0x46: {  	v11 =	vperm.xlane v9, v8;
	v12 =	vperm.xlane v10, v8;
	_ =	sdelay $0x1  }
0x47: {  	vm3 =	veq.f32 v11, v9;
	vm14 =	vlt.s32 v12, v10  }
0x48: {  	vm15 =	vlt.f32 v11, v9;
	vm3 =	vmand vm3, vm14  }
0x49: {  	vm3 =	vmor vm15, vm3  }
0x4a: {  	v9 =	vsel vm3, v12, v10  }
0x4b: {  	(v2sf) =	vpush v9, $0x0;
	_ =	sdelay $0xb  }
.Ltmp2:
0x4c: {  	_ = 	snop;
	(pc) =	sbr.rel @!p0 .LBB2_2-.Ltmp2, $3  }
0x4d: {  	_ =	sdelay $0x1  }
0x4e: {  	s28 =	spop (v2sf)  }
0x4f: {  	s26 =	sadd.s32 $0x1, s28;
	p3 =	sne.s32 s28, $0x7  }
.Ltmp3:
0x50: {  	(pc) =	sbr.rel @p3 .LBB2_11-.Ltmp3, $1  }
0x51: {  	_ =	sdelay $0x3  }
.Ltmp4:
0x52: {  	(pc) =	sbr.rel @p1 .LBB2_13-.Ltmp4, $4  }
.Ltmp5:
0x53: {  	(pc) =	sbr.rel @!p1 .LBB2_10-.Ltmp5, $4  }
0x54: {  	_ = 	snop  }
0x55: {  	[tilespmem:s24], [sflag:$0x1] =	stream.linear.gather [hbm4b:s14+s7], $0x9000, $0x38;
	[tilespmem:$0x12100] =	vst v63  }
0x56: {  	s26 =	smov.u32 s15  }
0x57: {  	_ = 	snop  }
.LBB2_2:
.Ltmp6:
0x58: {  	(pc) =	sbr.rel @p3 .LBB2_5-.Ltmp6, $1  }
0x59: {  	_ =	sdelay $0x3  }
.Ltmp7:
0x5a: {  	(pc) =	sbr.rel @p1 .LBB2_7-.Ltmp7, $4  }
.Ltmp8:
0x5b: {  	(pc) =	sbr.rel @!p1 .LBB2_4-.Ltmp8, $4  }
0x5c: {  	_ = 	snop  }
0x5d: {  	[tilespmem:s24], [sflag:$0x1] =	stream.linear.gather [hbm4b:s10+s7], $0x9000, $0x38;
	[tilespmem:$0x12100] =	vst v63  }
0x5e: {  	s26 =	smov.u32 s12  }
0x5f: {  	_ = 	snop  }
.LBB2_11:
0x60: {  	s26 =	smul.u32 $0x10E000, s26  }
.Ltmp9:
0x61: {  	_ = 	snop;
	(pc) =	sbr.rel @p2 .LBB2_10-.Ltmp9, $4  }
0x62: {  	s28 =	sadd.s32 s8, s26  }
0x63: {  	s28 =	sshrl.u32 s28, $0x3  }
0x64: {  	s28 =	sadd.s32 s4, s28  }
0x65: {  	[tilespmem:s24], [sflag:$0x1] =	stream.linear.gather [hbm4b:s28+s7], $0x9000, $0x38;
	[tilespmem:$0x12100] =	vst v63  }
0x66: {  	s26 =	sadd.s32 s9, s26  }
0x67: {  	s26 =	sshrl.u32 s26, $0x3  }
0x68: {  	s26 =	sadd.s32 s4, s26  }
.LBB2_13:
0x69: {  	[tilespmem:s25], [sflag:$0x2] =	stream.linear.gather [hbm4b:s26+s7], $0x9000, $0x38;
	[tilespmem:$0x12100] =	vst v63  }
0x6a: {  	_ =	swait.ge [sflag:s21], $0x9000  }
0x6b: {  	[sflag:s21] =	ssyncset.done $0x0  }
0x6c: {  	[sflag:s21] =	ssyncadd.s32 $0xFFFF7000  }
0x6d: {  	[hbm4b:s16+s7] =	stream.linear.scatter [tilespmem:s24], [sflag:$0x3], $0x9000, $0x38;
	[tilespmem:$0x12100] =	vst v63  }
0x6e: {  	_ =	swait.ge [sflag:s22], $0x9000  }
0x6f: {  	[sflag:s22] =	ssyncset.done $0x0  }
.Ltmp10:
0x70: {  	[sflag:s22] =	ssyncadd.s32 $0xFFFF7000;
	(pc) =	sbr.rel .LBB2_14-.Ltmp10, $4  }
0x71: {  	[hbm4b:s17+s7] =	stream.linear.scatter [tilespmem:s25], [sflag:$0x3], $0x9000, $0x38;
	[tilespmem:$0x12100] =	vst v63  }
0x72: {  	_ =	swait.ge [sflag:s23], $0x9000  }
0x73: {  	[sflag:s23] =	ssyncset.done $0x0  }
0x74: {  	[sflag:s23] =	ssyncadd.s32 $0xFFFF7000  }
.LBB2_5:
0x75: {  	s26 =	smul.u32 $0x10E000, s26  }
.Ltmp11:
0x76: {  	_ = 	snop;
	(pc) =	sbr.rel @p2 .LBB2_4-.Ltmp11, $4  }
0x77: {  	s28 =	sadd.s32 s8, s26  }
0x78: {  	s28 =	sshrl.u32 s28, $0x3  }
0x79: {  	s28 =	sadd.s32 s3, s28  }
0x7a: {  	[tilespmem:s24], [sflag:$0x1] =	stream.linear.gather [hbm4b:s28+s7], $0x9000, $0x38;
	[tilespmem:$0x12100] =	vst v63  }
0x7b: {  	s26 =	sadd.s32 s9, s26  }
0x7c: {  	s26 =	sshrl.u32 s26, $0x3  }
0x7d: {  	s26 =	sadd.s32 s3, s26  }
.LBB2_7:
0x7e: {  	[tilespmem:s25], [sflag:$0x2] =	stream.linear.gather [hbm4b:s26+s7], $0x9000, $0x38;
	[tilespmem:$0x12100] =	vst v63  }
0x7f: {  	_ =	swait.ge [sflag:s21], $0x9000  }
0x80: {  	[sflag:s21] =	ssyncset.done $0x0  }
0x81: {  	[sflag:s21] =	ssyncadd.s32 $0xFFFF7000  }
0x82: {  	[hbm4b:s11+s7] =	stream.linear.scatter [tilespmem:s24], [sflag:$0x3], $0x9000, $0x38;
	[tilespmem:$0x12100] =	vst v63  }
0x83: {  	_ =	swait.ge [sflag:s22], $0x9000  }
0x84: {  	[sflag:s22] =	ssyncset.done $0x0  }
.Ltmp12:
0x85: {  	[sflag:s22] =	ssyncadd.s32 $0xFFFF7000;
	(pc) =	sbr.rel .LBB2_14-.Ltmp12, $4  }
0x86: {  	[hbm4b:s13+s7] =	stream.linear.scatter [tilespmem:s25], [sflag:$0x3], $0x9000, $0x38;
	[tilespmem:$0x12100] =	vst v63  }
0x87: {  	_ =	swait.ge [sflag:s23], $0x9000  }
0x88: {  	[sflag:s23] =	ssyncset.done $0x0  }
0x89: {  	[sflag:s23] =	ssyncadd.s32 $0xFFFF7000  }
.LBB2_10:
.Ltmp13:
0x8a: {  	(pc) =	sbr.rel .LBB2_14-.Ltmp13, $4  }
0x8b: {  	_ =	swait.ge [sflag:s21], $0x9000  }
0x8c: {  	[sflag:s21] =	ssyncset.done $0x0  }
0x8d: {  	[sflag:s21] =	ssyncadd.s32 $0xFFFF7000  }
0x8e: {  	[hbm4b:s16+s7] =	stream.linear.scatter [tilespmem:s24], [sflag:$0x3], $0x9000, $0x38;
	[tilespmem:$0x12100] =	vst v63  }
.LBB2_15:
0x8f: {  	_ =	sfence.sel $0x180000  }
0x90: {  	[bflag:$0x0] =	sbarrier.arrive $0xFFFF  }
0x91: {  	p0 =	sne.s32 s5, $0x0;
	_ =	strace $0x90000047  }
0x92: {  	s0 =	sadd.s32 @!p0 $0x100000, s6;
	[bflag:$0x2] =	sbarrier.arrive $0xFFFF  }
0x93: {  	[sflag:s0] =	ssyncadd.tile.s32 @!p0 $0x1;
	_ =	shalt  }
.Lfunc_end2:
_tile_overlayer_lowered:
.L_overlay_start_2:
0x94: {  	(tag) =	ssettag $0x2  }
0x95: {  	s0 =	rddreg [dreg:$0x0];
	s2 =	stileid.u32  }
0x96: {  	s1 =	rddreg [dreg:$0x1];
	p0 =	sne.s32 s2, $0x0  }
0x97: {  	s3 =	rddreg [dreg:$0x2];
	[bflag:$0x3] =	sbarrier.arrive $0xFFFF;
	s2 =	simm.s32 @!p0 $0x1C04  }
0x98: {  	[timem:s3], [sflag:s2] =	dma.local @!p0 [hbm:s0], s1  }
0x99: {  	s0 =	simm.s32 @!p0 $0x4  }
0x9a: {  	_ =	swait.ge @!p0 [sflag:s0], s1  }
0x9b: {  	s1 =	ssub.s32 @!p0 $0x0, s1;
	[sflag:s0] =	ssyncset.done @!p0 $0x0  }
0x9c: {  	[sflag:s0] =	ssyncadd.s32 @!p0 s1  }
0x9d: {  	[bflag:$0x3] =	sbarrier.arrive $0xFFFF  }
0x9e: {  	_ =	shalt  }

</sc_bundles>
